<compile_context>
chip_gen: v7x
topology: tpu7x:2x2x1
jax: 0.10.2.dev20260603
libtpu: 0.0.44.dev20260713+nightly
codegen_flags: <defaults>
</compile_context>

<pallas_src>
import functools

import jax
import jax.numpy as jnp
from jax import lax
from jax.experimental import pallas as pl
from jax.experimental.pallas import tpu as pltpu
from jax.experimental.pallas import tpu_sc as plsc

NUM_TAGS = 8
NUM_PROMPT_TOKENS = 128
HIDDEN = 4096

NC, NS, L = 2, 16, 16
NW = NC * NS
PER_W = NUM_PROMPT_TOKENS // NW

_mesh = plsc.VectorSubcoreMesh(core_axis_name="c", subcore_axis_name="s")


@functools.partial(
    pl.kernel,
    mesh=_mesh,
    out_type=jax.ShapeDtypeStruct((NUM_PROMPT_TOKENS, HIDDEN), jnp.float32),
    scratch_types=(
        [pltpu.VMEM((2 * L,), jnp.int32)]
        + [pltpu.VMEM((1, HIDDEN), jnp.float32)] * (2 * PER_W)
        + [pltpu.SemaphoreType.DMA] * (2 * PER_W)
    ),
)
def _prompt_table_sc(pid_hbm, pt_hbm, pos_hbm, out_hbm, idx_v, *rest):
    bufs = rest[:2 * PER_W]
    sems = rest[2 * PER_W:]
    a_bufs, b_bufs = bufs[:PER_W], bufs[PER_W:]
    a_sems, b_sems = sems[:PER_W], sems[PER_W:]

    wid = lax.axis_index("s") * NC + lax.axis_index("c")
    pltpu.sync_copy(pid_hbm, idx_v.at[pl.ds(0, 1)])
    raw = idx_v[pl.ds(0, L)]
    _dn = lax.GatherDimensionNumbers(
        offset_dims=(), collapsed_slice_dims=(0,), start_index_map=(0,))
    pid_vec = lax.gather(raw, jnp.zeros((L, 1), jnp.int32), _dn,
                         slice_sizes=(1,),
                         mode=lax.GatherScatterMode.PROMISE_IN_BOUNDS)
    base = pid_vec * NUM_PROMPT_TOKENS + wid * PER_W
    half = lax.shift_right_logical(lax.iota(jnp.int32, L), 3)
    idx_v[pl.ds(0, L)] = base + half
    idx_v[pl.ds(L, L)] = base + 2 + half

    gathers = []
    for r in range(PER_W):
        ir = idx_v.at[pl.ds(8 * r, 1)]
        ga = pltpu.make_async_copy(pt_hbm.at[ir], a_bufs[r], a_sems[r])
        gb = pltpu.make_async_copy(pos_hbm.at[ir], b_bufs[r], b_sems[r])
        ga.start()
        gb.start()
        gathers.append((ga, gb))

    wbs = []
    for r in range(PER_W):
        ga, gb = gathers[r]
        ga.wait()
        gb.wait()
        a_v, b_v = a_bufs[r], b_bufs[r]

        @plsc.parallel_loop(0, HIDDEN, step=L, unroll=4)
        def _body(i, a_v=a_v, b_v=b_v):
            plsc.addupdate(a_v.at[0, pl.ds(i, L)], b_v[0, pl.ds(i, L)])

        wb = pltpu.make_async_copy(
            a_v, out_hbm.at[pl.ds(wid * PER_W + r, 1)], a_sems[r])
        wb.start()
        wbs.append(wb)
    for wb in wbs:
        wb.wait()


def kernel(prompt_id, prompt_tables, position_tables):
    pt = prompt_tables.reshape(NUM_TAGS * NUM_PROMPT_TOKENS, HIDDEN)
    pos = position_tables.reshape(NUM_TAGS * NUM_PROMPT_TOKENS, HIDDEN)
    return _prompt_table_sc(prompt_id, pt, pos)

# --- scband reference (transcript-rebuilt; emitter-appended) ---
"""Pipeline reference for scband-prompt-table-11905649344978 (READ-ONLY COPY).

The authoritative reference and input builder live on the scoring server;
editing this copy changes nothing except your own understanding.
"""

import jax, jax.numpy as jnp
import numpy as np

NUM_TAGS = 8
NUM_PROMPT_TOKENS = 128
HIDDEN = 4096

def setup_inputs(seed: int = 0) -> dict:
    key = jax.random.key(seed)
    k1, k2, k3 = jax.random.split(key, 3)
    prompt_id = jax.random.randint(k1, (1,), 0, NUM_TAGS, dtype=jnp.int32)
    # Stacked per-tag learned tables: prompt embeddings and position embeddings
    prompt_tables = jax.random.normal(k2, (NUM_TAGS, NUM_PROMPT_TOKENS, HIDDEN), dtype=jnp.float32) * 0.02
    position_tables = jax.random.normal(k3, (NUM_TAGS, NUM_PROMPT_TOKENS, HIDDEN), dtype=jnp.float32) * 0.02
    return {"prompt_id": prompt_id, "prompt_tables": prompt_tables, "position_tables": position_tables}

def reference(prompt_id, prompt_tables, position_tables):
    # PromptTable.forward: select the PromptEmbedding for this prompt_id, then
    # PromptEmbedding.forward: lookup ids=arange(num_prompt_tokens) in both tables and add.
    pid = prompt_id[0]
    ids = jnp.arange(NUM_PROMPT_TOKENS, dtype=jnp.int32)
    pt = jnp.take(prompt_tables, pid, axis=0)
    post = jnp.take(position_tables, pid, axis=0)
    prompt_embeddings = jnp.take(pt, ids, axis=0)
    position_embeddings = jnp.take(post, ids, axis=0)
    embeddings = prompt_embeddings + position_embeddings
    # dropout is identity in eval mode
    return embeddings

if __name__ == "__main__":
    import jax
    _d = setup_inputs()
    print(jax.jit(kernel)(*tuple(_d.values())))

</pallas_src>

<mosaic_0001>
#map = affine_map<(d0, d1) -> (0)>
#map1 = affine_map<(d0, d1) -> (0, 0)>
module attributes {stable_mosaic.version = 14 : i64} {
  func.func @_prompt_table_sc(%arg0: i32, %arg1: i32, %arg2: memref<1xi32, #tpu.memory_space<hbm>>, %arg3: memref<1024x4096xf32, #tpu.memory_space<hbm>>, %arg4: memref<1024x4096xf32, #tpu.memory_space<hbm>>, %arg5: memref<128x4096xf32, #tpu.memory_space<hbm>>, %arg6: memref<32xi32, #tpu.memory_space<vmem>>, %arg7: memref<1x4096xf32, #tpu.memory_space<vmem>>, %arg8: memref<1x4096xf32, #tpu.memory_space<vmem>>, %arg9: memref<1x4096xf32, #tpu.memory_space<vmem>>, %arg10: memref<1x4096xf32, #tpu.memory_space<vmem>>, %arg11: memref<1x4096xf32, #tpu.memory_space<vmem>>, %arg12: memref<1x4096xf32, #tpu.memory_space<vmem>>, %arg13: memref<1x4096xf32, #tpu.memory_space<vmem>>, %arg14: memref<1x4096xf32, #tpu.memory_space<vmem>>, %arg15: memref<!tpu.dma_semaphore, #tpu.memory_space<semaphore_mem>>, %arg16: memref<!tpu.dma_semaphore, #tpu.memory_space<semaphore_mem>>, %arg17: memref<!tpu.dma_semaphore, #tpu.memory_space<semaphore_mem>>, %arg18: memref<!tpu.dma_semaphore, #tpu.memory_space<semaphore_mem>>, %arg19: memref<!tpu.dma_semaphore, #tpu.memory_space<semaphore_mem>>, %arg20: memref<!tpu.dma_semaphore, #tpu.memory_space<semaphore_mem>>, %arg21: memref<!tpu.dma_semaphore, #tpu.memory_space<semaphore_mem>>, %arg22: memref<!tpu.dma_semaphore, #tpu.memory_space<semaphore_mem>>) attributes {dimension_semantics = [#tpu.dimension_semantics<core_parallel>, #tpu.dimension_semantics<subcore_parallel>], iteration_bounds = array<i64: 2, 16>, scalar_prefetch = 0 : i64, scratch_operands = 17 : i64, tpu.core_type = #tpu.core_type<sc_vector_subcore>, window_params = [{transform_indices = #map}, {transform_indices = #map1}, {transform_indices = #map1}, {transform_indices = #map1}]} {
    %mul3A = arith.constant 2 : i32
    %mul3A_0 = arith.muli %arg1, %mul3A : i32
    %add3A = arith.addi %mul3A_0, %arg0 : i32
    "tpu.region"() ({
      %run_scoped3A = tpu.sem_alloc : memref<!tpu.dma_semaphore, #tpu.memory_space<semaphore_mem>>
      %dma_start3A_163 = arith.constant 0 : i32
      %dma_start3A_164 = tpu.memref_slice %arg6[%dma_start3A_163] : memref<32xi32, #tpu.memory_space<vmem>> -> memref<1xi32, #tpu.memory_space<vmem>>
      %dma_start3A_165 = arith.constant 0 : i32
      %dma_start3A_166 = tpu.memref_slice %arg6[%dma_start3A_165] : memref<32xi32, #tpu.memory_space<vmem>> -> memref<1xi32, #tpu.memory_space<vmem>>
      tpu.enqueue_dma source(%arg2 : memref<1xi32, #tpu.memory_space<hbm>>) target(%dma_start3A_166 : memref<1xi32, #tpu.memory_space<vmem>>) target_semaphore(%run_scoped3A : memref<!tpu.dma_semaphore, #tpu.memory_space<semaphore_mem>>)
      %dma_wait3A_167 = arith.constant 0 : i32
      %dma_wait3A_168 = tpu.memref_slice %arg6[%dma_wait3A_167] : memref<32xi32, #tpu.memory_space<vmem>> -> memref<1xi32, #tpu.memory_space<vmem>>
      %dma_wait3A_169 = arith.constant 0 : i32
      %dma_wait3A_170 = tpu.memref_slice %arg6[%dma_wait3A_169] : memref<32xi32, #tpu.memory_space<vmem>> -> memref<1xi32, #tpu.memory_space<vmem>>
      tpu.wait_dma2 semaphore(%run_scoped3A : memref<!tpu.dma_semaphore, #tpu.memory_space<semaphore_mem>>) src(%arg2 : memref<1xi32, #tpu.memory_space<hbm>>) dst(%dma_wait3A_170 : memref<1xi32, #tpu.memory_space<vmem>>)
      tpu.yield
    }) : () -> ()
    %get3A = arith.constant 0 : index
    %get3A_1 = tpu.vector_load %arg6[%get3A] {strides = array<i32>} : memref<32xi32, #tpu.memory_space<vmem>>, vector<16xi32>,
    %get3A_2 = vector.shape_cast %get3A_1 : vector<16xi32> to vector<16xi32>
    %broadcast_in_dim3A = arith.constant 0 : i32
    %broadcast_in_dim3A_3 = vector.broadcast %broadcast_in_dim3A : i32 to vector<16x1xi32>
    %gather3A = vector.shape_cast %broadcast_in_dim3A_3 : vector<16x1xi32> to vector<16xi32>
    %gather3A_4 = tpu.dynamic_gather %get3A_2[%gather3A] in [0] : vector<16xi32>, vector<16xi32> -> vector<16xi32>
    %mul3A_5 = arith.constant 128 : i32
    %mul3A_6 = vector.broadcast %mul3A_5 : i32 to vector<16xi32>
    %mul3A_7 = arith.muli %gather3A_4, %mul3A_6 : vector<16xi32>
    %mul3A_8 = arith.constant 4 : i32
    %mul3A_9 = arith.muli %add3A, %mul3A_8 : i32
    %add3A_10 = vector.broadcast %mul3A_9 : i32 to vector<16xi32>
    %add3A_11 = arith.addi %mul3A_7, %add3A_10 : vector<16xi32>
    %iota3A = tpu.iota {dimensions = array<i32: 0>} : vector<16xi32>
    %shift_right_logical3A = arith.constant 3 : i32
    %shift_right_logical3A_12 = vector.broadcast %shift_right_logical3A : i32 to vector<16xi32>
    %shift_right_logical3A_13 = arith.shrui %iota3A, %shift_right_logical3A_12 : vector<16xi32>
    %add3A_14 = arith.addi %add3A_11, %shift_right_logical3A_13 : vector<16xi32>
    %swap3A = arith.constant 0 : index
    %swap3A_15 = tpu.vector_load %arg6[%swap3A] {strides = array<i32>} : memref<32xi32, #tpu.memory_space<vmem>>, vector<16xi32>,
    %swap3A_16 = vector.shape_cast %swap3A_15 : vector<16xi32> to vector<16xi32>
    %swap3A_17 = vector.shape_cast %add3A_14 : vector<16xi32> to vector<16xi32>
    tpu.vector_store %arg6[%swap3A], %swap3A_17 {strides = array<i32>} : memref<32xi32, #tpu.memory_space<vmem>>, vector<16xi32>,
    %add3A_18 = arith.constant 2 : i32
    %add3A_19 = vector.broadcast %add3A_18 : i32 to vector<16xi32>
    %add3A_20 = arith.addi %add3A_11, %add3A_19 : vector<16xi32>
    %add3A_21 = arith.addi %add3A_20, %shift_right_logical3A_13 : vector<16xi32>
    %swap3A_22 = arith.constant 16 : index
    %swap3A_23 = tpu.vector_load %arg6[%swap3A_22] {strides = array<i32>} : memref<32xi32, #tpu.memory_space<vmem>>, vector<16xi32>,
    %swap3A_24 = vector.shape_cast %swap3A_23 : vector<16xi32> to vector<16xi32>
    %swap3A_25 = vector.shape_cast %add3A_21 : vector<16xi32> to vector<16xi32>
    tpu.vector_store %arg6[%swap3A_22], %swap3A_25 {strides = array<i32>} : memref<32xi32, #tpu.memory_space<vmem>>, vector<16xi32>,
    %dma_start3A = arith.constant 0 : i32
    %dma_start3A_26 = tpu.memref_slice %arg6[%dma_start3A] : memref<32xi32, #tpu.memory_space<vmem>> -> memref<1xi32, #tpu.memory_space<vmem>>
    %dma_start3A_27 = arith.constant 0 : i32
    %dma_start3A_28 = arith.constant 0 : i32
    %dma_start3A_29 = tpu.memref_slice %arg3[%dma_start3A_27, %dma_start3A_28] : memref<1024x4096xf32, #tpu.memory_space<hbm>> -> memref<1024x4096xf32, #tpu.memory_space<hbm>>
    tpu.enqueue_indirect_dma source(%dma_start3A_29 : memref<1024x4096xf32, #tpu.memory_space<hbm>>) target(%arg7 : memref<1x4096xf32, #tpu.memory_space<vmem>>) offsets(%dma_start3A_26 : memref<1xi32, #tpu.memory_space<vmem>>) semaphore(%arg15 : memref<!tpu.dma_semaphore, #tpu.memory_space<semaphore_mem>>)
    %dma_start3A_30 = arith.constant 0 : i32
    %dma_start3A_31 = tpu.memref_slice %arg6[%dma_start3A_30] : memref<32xi32, #tpu.memory_space<vmem>> -> memref<1xi32, #tpu.memory_space<vmem>>
    %dma_start3A_32 = arith.constant 0 : i32
    %dma_start3A_33 = arith.constant 0 : i32
    %dma_start3A_34 = tpu.memref_slice %arg4[%dma_start3A_32, %dma_start3A_33] : memref<1024x4096xf32, #tpu.memory_space<hbm>> -> memref<1024x4096xf32, #tpu.memory_space<hbm>>
    tpu.enqueue_indirect_dma source(%dma_start3A_34 : memref<1024x4096xf32, #tpu.memory_space<hbm>>) target(%arg11 : memref<1x4096xf32, #tpu.memory_space<vmem>>) offsets(%dma_start3A_31 : memref<1xi32, #tpu.memory_space<vmem>>) semaphore(%arg19 : memref<!tpu.dma_semaphore, #tpu.memory_space<semaphore_mem>>)
    %dma_start3A_35 = arith.constant 8 : i32
    %dma_start3A_36 = tpu.memref_slice %arg6[%dma_start3A_35] : memref<32xi32, #tpu.memory_space<vmem>> -> memref<1xi32, #tpu.memory_space<vmem>>
    %dma_start3A_37 = arith.constant 0 : i32
    %dma_start3A_38 = arith.constant 0 : i32
    %dma_start3A_39 = tpu.memref_slice %arg3[%dma_start3A_37, %dma_start3A_38] : memref<1024x4096xf32, #tpu.memory_space<hbm>> -> memref<1024x4096xf32, #tpu.memory_space<hbm>>
    tpu.enqueue_indirect_dma source(%dma_start3A_39 : memref<1024x4096xf32, #tpu.memory_space<hbm>>) target(%arg8 : memref<1x4096xf32, #tpu.memory_space<vmem>>) offsets(%dma_start3A_36 : memref<1xi32, #tpu.memory_space<vmem>>) semaphore(%arg16 : memref<!tpu.dma_semaphore, #tpu.memory_space<semaphore_mem>>)
    %dma_start3A_40 = arith.constant 8 : i32
    %dma_start3A_41 = tpu.memref_slice %arg6[%dma_start3A_40] : memref<32xi32, #tpu.memory_space<vmem>> -> memref<1xi32, #tpu.memory_space<vmem>>
    %dma_start3A_42 = arith.constant 0 : i32
    %dma_start3A_43 = arith.constant 0 : i32
    %dma_start3A_44 = tpu.memref_slice %arg4[%dma_start3A_42, %dma_start3A_43] : memref<1024x4096xf32, #tpu.memory_space<hbm>> -> memref<1024x4096xf32, #tpu.memory_space<hbm>>
    tpu.enqueue_indirect_dma source(%dma_start3A_44 : memref<1024x4096xf32, #tpu.memory_space<hbm>>) target(%arg12 : memref<1x4096xf32, #tpu.memory_space<vmem>>) offsets(%dma_start3A_41 : memref<1xi32, #tpu.memory_space<vmem>>) semaphore(%arg20 : memref<!tpu.dma_semaphore, #tpu.memory_space<semaphore_mem>>)
    %dma_start3A_45 = arith.constant 16 : i32
    %dma_start3A_46 = tpu.memref_slice %arg6[%dma_start3A_45] : memref<32xi32, #tpu.memory_space<vmem>> -> memref<1xi32, #tpu.memory_space<vmem>>
    %dma_start3A_47 = arith.constant 0 : i32
    %dma_start3A_48 = arith.constant 0 : i32
    %dma_start3A_49 = tpu.memref_slice %arg3[%dma_start3A_47, %dma_start3A_48] : memref<1024x4096xf32, #tpu.memory_space<hbm>> -> memref<1024x4096xf32, #tpu.memory_space<hbm>>
    tpu.enqueue_indirect_dma source(%dma_start3A_49 : memref<1024x4096xf32, #tpu.memory_space<hbm>>) target(%arg9 : memref<1x4096xf32, #tpu.memory_space<vmem>>) offsets(%dma_start3A_46 : memref<1xi32, #tpu.memory_space<vmem>>) semaphore(%arg17 : memref<!tpu.dma_semaphore, #tpu.memory_space<semaphore_mem>>)
    %dma_start3A_50 = arith.constant 16 : i32
    %dma_start3A_51 = tpu.memref_slice %arg6[%dma_start3A_50] : memref<32xi32, #tpu.memory_space<vmem>> -> memref<1xi32, #tpu.memory_space<vmem>>
    %dma_start3A_52 = arith.constant 0 : i32
    %dma_start3A_53 = arith.constant 0 : i32
    %dma_start3A_54 = tpu.memref_slice %arg4[%dma_start3A_52, %dma_start3A_53] : memref<1024x4096xf32, #tpu.memory_space<hbm>> -> memref<1024x4096xf32, #tpu.memory_space<hbm>>
    tpu.enqueue_indirect_dma source(%dma_start3A_54 : memref<1024x4096xf32, #tpu.memory_space<hbm>>) target(%arg13 : memref<1x4096xf32, #tpu.memory_space<vmem>>) offsets(%dma_start3A_51 : memref<1xi32, #tpu.memory_space<vmem>>) semaphore(%arg21 : memref<!tpu.dma_semaphore, #tpu.memory_space<semaphore_mem>>)
    %dma_start3A_55 = arith.constant 24 : i32
    %dma_start3A_56 = tpu.memref_slice %arg6[%dma_start3A_55] : memref<32xi32, #tpu.memory_space<vmem>> -> memref<1xi32, #tpu.memory_space<vmem>>
    %dma_start3A_57 = arith.constant 0 : i32
    %dma_start3A_58 = arith.constant 0 : i32
    %dma_start3A_59 = tpu.memref_slice %arg3[%dma_start3A_57, %dma_start3A_58] : memref<1024x4096xf32, #tpu.memory_space<hbm>> -> memref<1024x4096xf32, #tpu.memory_space<hbm>>
    tpu.enqueue_indirect_dma source(%dma_start3A_59 : memref<1024x4096xf32, #tpu.memory_space<hbm>>) target(%arg10 : memref<1x4096xf32, #tpu.memory_space<vmem>>) offsets(%dma_start3A_56 : memref<1xi32, #tpu.memory_space<vmem>>) semaphore(%arg18 : memref<!tpu.dma_semaphore, #tpu.memory_space<semaphore_mem>>)
    %dma_start3A_60 = arith.constant 24 : i32
    %dma_start3A_61 = tpu.memref_slice %arg6[%dma_start3A_60] : memref<32xi32, #tpu.memory_space<vmem>> -> memref<1xi32, #tpu.memory_space<vmem>>
    %dma_start3A_62 = arith.constant 0 : i32
    %dma_start3A_63 = arith.constant 0 : i32
    %dma_start3A_64 = tpu.memref_slice %arg4[%dma_start3A_62, %dma_start3A_63] : memref<1024x4096xf32, #tpu.memory_space<hbm>> -> memref<1024x4096xf32, #tpu.memory_space<hbm>>
    tpu.enqueue_indirect_dma source(%dma_start3A_64 : memref<1024x4096xf32, #tpu.memory_space<hbm>>) target(%arg14 : memref<1x4096xf32, #tpu.memory_space<vmem>>) offsets(%dma_start3A_61 : memref<1xi32, #tpu.memory_space<vmem>>) semaphore(%arg22 : memref<!tpu.dma_semaphore, #tpu.memory_space<semaphore_mem>>)
    %dma_wait3A = arith.constant 0 : i32
    %dma_wait3A_65 = tpu.memref_slice %arg6[%dma_wait3A] : memref<32xi32, #tpu.memory_space<vmem>> -> memref<1xi32, #tpu.memory_space<vmem>>
    %dma_wait3A_66 = arith.constant 0 : i32
    %dma_wait3A_67 = arith.constant 0 : i32
    %dma_wait3A_68 = tpu.memref_slice %arg3[%dma_wait3A_66, %dma_wait3A_67] : memref<1024x4096xf32, #tpu.memory_space<hbm>> -> memref<1024x4096xf32, #tpu.memory_space<hbm>>
    tpu.wait_indirect_dma semaphore(%arg15 : memref<!tpu.dma_semaphore, #tpu.memory_space<semaphore_mem>>) src(%dma_wait3A_68 : memref<1024x4096xf32, #tpu.memory_space<hbm>>) dst(%arg7 : memref<1x4096xf32, #tpu.memory_space<vmem>>)
    %dma_wait3A_69 = arith.constant 0 : i32
    %dma_wait3A_70 = tpu.memref_slice %arg6[%dma_wait3A_69] : memref<32xi32, #tpu.memory_space<vmem>> -> memref<1xi32, #tpu.memory_space<vmem>>
    %dma_wait3A_71 = arith.constant 0 : i32
    %dma_wait3A_72 = arith.constant 0 : i32
    %dma_wait3A_73 = tpu.memref_slice %arg4[%dma_wait3A_71, %dma_wait3A_72] : memref<1024x4096xf32, #tpu.memory_space<hbm>> -> memref<1024x4096xf32, #tpu.memory_space<hbm>>
    tpu.wait_indirect_dma semaphore(%arg19 : memref<!tpu.dma_semaphore, #tpu.memory_space<semaphore_mem>>) src(%dma_wait3A_73 : memref<1024x4096xf32, #tpu.memory_space<hbm>>) dst(%arg11 : memref<1x4096xf32, #tpu.memory_space<vmem>>)
    %parallel_loop3A = arith.constant 0 : i32
    %parallel_loop3A_74 = arith.constant 4096 : i32
    %parallel_loop3A_75 = arith.constant 16 : i32
    scf.for %parallel_loop3A_163 = %parallel_loop3A to %parallel_loop3A_74 step %parallel_loop3A_75  : i32 {
      %parallel_loop3A_164 = arith.constant 0 : i32
      %parallel_loop3A_165 = arith.index_cast %parallel_loop3A_164 : i32 to index
      %parallel_loop3A_166 = arith.index_cast %parallel_loop3A_163 : i32 to index
      %parallel_loop3A_167 = tpu.vector_load %arg11[%parallel_loop3A_165, %parallel_loop3A_166] {strides = array<i32>} : memref<1x4096xf32, #tpu.memory_space<vmem>>, vector<1x16xf32>,
      %parallel_loop3A_168 = vector.shape_cast %parallel_loop3A_167 : vector<1x16xf32> to vector<16xf32>
      %parallel_loop3A_169 = arith.constant 0 : i32
      %parallel_loop3A_170 = arith.index_cast %parallel_loop3A_169 : i32 to index
      %parallel_loop3A_171 = arith.index_cast %parallel_loop3A_163 : i32 to index
      %parallel_loop3A_172 = tpu.vector_load %arg7[%parallel_loop3A_170, %parallel_loop3A_171] {strides = array<i32>} : memref<1x4096xf32, #tpu.memory_space<vmem>>, vector<1x16xf32>,
      %parallel_loop3A_173 = vector.shape_cast %parallel_loop3A_172 : vector<1x16xf32> to vector<16xf32>
      %parallel_loop3A_174 = vector.shape_cast %parallel_loop3A_168 : vector<16xf32> to vector<1x16xf32>
      tpu.vector_store %arg7[%parallel_loop3A_170, %parallel_loop3A_171], %parallel_loop3A_174 {add = true, strides = array<i32>} : memref<1x4096xf32, #tpu.memory_space<vmem>>, vector<1x16xf32>,
    } {sc.loop_unroll_factor = 4 : i64, sc.parallel_access}
    %mul3A_76 = arith.constant 4 : i32
    %mul3A_77 = arith.muli %add3A, %mul3A_76 : i32
    %add3A_78 = arith.constant 0 : i32
    %add3A_79 = arith.addi %mul3A_77, %add3A_78 : i32
    %dma_start3A_80 = arith.constant 0 : i32
    %dma_start3A_81 = tpu.memref_slice %arg5[%add3A_79, %dma_start3A_80] : memref<128x4096xf32, #tpu.memory_space<hbm>> -> memref<1x4096xf32, #tpu.memory_space<hbm>>
    %dma_start3A_82 = arith.constant 0 : i32
    %dma_start3A_83 = tpu.memref_slice %arg5[%add3A_79, %dma_start3A_82] : memref<128x4096xf32, #tpu.memory_space<hbm>> -> memref<1x4096xf32, #tpu.memory_space<hbm>>
    tpu.enqueue_dma source(%arg7 : memref<1x4096xf32, #tpu.memory_space<vmem>>) target(%dma_start3A_83 : memref<1x4096xf32, #tpu.memory_space<hbm>>) target_semaphore(%arg15 : memref<!tpu.dma_semaphore, #tpu.memory_space<semaphore_mem>>)
    %dma_wait3A_84 = arith.constant 8 : i32
    %dma_wait3A_85 = tpu.memref_slice %arg6[%dma_wait3A_84] : memref<32xi32, #tpu.memory_space<vmem>> -> memref<1xi32, #tpu.memory_space<vmem>>
    %dma_wait3A_86 = arith.constant 0 : i32
    %dma_wait3A_87 = arith.constant 0 : i32
    %dma_wait3A_88 = tpu.memref_slice %arg3[%dma_wait3A_86, %dma_wait3A_87] : memref<1024x4096xf32, #tpu.memory_space<hbm>> -> memref<1024x4096xf32, #tpu.memory_space<hbm>>
    tpu.wait_indirect_dma semaphore(%arg16 : memref<!tpu.dma_semaphore, #tpu.memory_space<semaphore_mem>>) src(%dma_wait3A_88 : memref<1024x4096xf32, #tpu.memory_space<hbm>>) dst(%arg8 : memref<1x4096xf32, #tpu.memory_space<vmem>>)
    %dma_wait3A_89 = arith.constant 8 : i32
    %dma_wait3A_90 = tpu.memref_slice %arg6[%dma_wait3A_89] : memref<32xi32, #tpu.memory_space<vmem>> -> memref<1xi32, #tpu.memory_space<vmem>>
    %dma_wait3A_91 = arith.constant 0 : i32
    %dma_wait3A_92 = arith.constant 0 : i32
    %dma_wait3A_93 = tpu.memref_slice %arg4[%dma_wait3A_91, %dma_wait3A_92] : memref<1024x4096xf32, #tpu.memory_space<hbm>> -> memref<1024x4096xf32, #tpu.memory_space<hbm>>
    tpu.wait_indirect_dma semaphore(%arg20 : memref<!tpu.dma_semaphore, #tpu.memory_space<semaphore_mem>>) src(%dma_wait3A_93 : memref<1024x4096xf32, #tpu.memory_space<hbm>>) dst(%arg12 : memref<1x4096xf32, #tpu.memory_space<vmem>>)
    %parallel_loop3A_94 = arith.constant 0 : i32
    %parallel_loop3A_95 = arith.constant 4096 : i32
    %parallel_loop3A_96 = arith.constant 16 : i32
    scf.for %parallel_loop3A_163 = %parallel_loop3A_94 to %parallel_loop3A_95 step %parallel_loop3A_96  : i32 {
      %parallel_loop3A_164 = arith.constant 0 : i32
      %parallel_loop3A_165 = arith.index_cast %parallel_loop3A_164 : i32 to index
      %parallel_loop3A_166 = arith.index_cast %parallel_loop3A_163 : i32 to index
      %parallel_loop3A_167 = tpu.vector_load %arg12[%parallel_loop3A_165, %parallel_loop3A_166] {strides = array<i32>} : memref<1x4096xf32, #tpu.memory_space<vmem>>, vector<1x16xf32>,
      %parallel_loop3A_168 = vector.shape_cast %parallel_loop3A_167 : vector<1x16xf32> to vector<16xf32>
      %parallel_loop3A_169 = arith.constant 0 : i32
      %parallel_loop3A_170 = arith.index_cast %parallel_loop3A_169 : i32 to index
      %parallel_loop3A_171 = arith.index_cast %parallel_loop3A_163 : i32 to index
      %parallel_loop3A_172 = tpu.vector_load %arg8[%parallel_loop3A_170, %parallel_loop3A_171] {strides = array<i32>} : memref<1x4096xf32, #tpu.memory_space<vmem>>, vector<1x16xf32>,
      %parallel_loop3A_173 = vector.shape_cast %parallel_loop3A_172 : vector<1x16xf32> to vector<16xf32>
      %parallel_loop3A_174 = vector.shape_cast %parallel_loop3A_168 : vector<16xf32> to vector<1x16xf32>
      tpu.vector_store %arg8[%parallel_loop3A_170, %parallel_loop3A_171], %parallel_loop3A_174 {add = true, strides = array<i32>} : memref<1x4096xf32, #tpu.memory_space<vmem>>, vector<1x16xf32>,
    } {sc.loop_unroll_factor = 4 : i64, sc.parallel_access}
    %mul3A_97 = arith.constant 4 : i32
    %mul3A_98 = arith.muli %add3A, %mul3A_97 : i32
    %add3A_99 = arith.constant 1 : i32
    %add3A_100 = arith.addi %mul3A_98, %add3A_99 : i32
    %dma_start3A_101 = arith.constant 0 : i32
    %dma_start3A_102 = tpu.memref_slice %arg5[%add3A_100, %dma_start3A_101] : memref<128x4096xf32, #tpu.memory_space<hbm>> -> memref<1x4096xf32, #tpu.memory_space<hbm>>
    %dma_start3A_103 = arith.constant 0 : i32
    %dma_start3A_104 = tpu.memref_slice %arg5[%add3A_100, %dma_start3A_103] : memref<128x4096xf32, #tpu.memory_space<hbm>> -> memref<1x4096xf32, #tpu.memory_space<hbm>>
    tpu.enqueue_dma source(%arg8 : memref<1x4096xf32, #tpu.memory_space<vmem>>) target(%dma_start3A_104 : memref<1x4096xf32, #tpu.memory_space<hbm>>) target_semaphore(%arg16 : memref<!tpu.dma_semaphore, #tpu.memory_space<semaphore_mem>>)
    %dma_wait3A_105 = arith.constant 16 : i32
    %dma_wait3A_106 = tpu.memref_slice %arg6[%dma_wait3A_105] : memref<32xi32, #tpu.memory_space<vmem>> -> memref<1xi32, #tpu.memory_space<vmem>>
    %dma_wait3A_107 = arith.constant 0 : i32
    %dma_wait3A_108 = arith.constant 0 : i32
    %dma_wait3A_109 = tpu.memref_slice %arg3[%dma_wait3A_107, %dma_wait3A_108] : memref<1024x4096xf32, #tpu.memory_space<hbm>> -> memref<1024x4096xf32, #tpu.memory_space<hbm>>
    tpu.wait_indirect_dma semaphore(%arg17 : memref<!tpu.dma_semaphore, #tpu.memory_space<semaphore_mem>>) src(%dma_wait3A_109 : memref<1024x4096xf32, #tpu.memory_space<hbm>>) dst(%arg9 : memref<1x4096xf32, #tpu.memory_space<vmem>>)
    %dma_wait3A_110 = arith.constant 16 : i32
    %dma_wait3A_111 = tpu.memref_slice %arg6[%dma_wait3A_110] : memref<32xi32, #tpu.memory_space<vmem>> -> memref<1xi32, #tpu.memory_space<vmem>>
    %dma_wait3A_112 = arith.constant 0 : i32
    %dma_wait3A_113 = arith.constant 0 : i32
    %dma_wait3A_114 = tpu.memref_slice %arg4[%dma_wait3A_112, %dma_wait3A_113] : memref<1024x4096xf32, #tpu.memory_space<hbm>> -> memref<1024x4096xf32, #tpu.memory_space<hbm>>
    tpu.wait_indirect_dma semaphore(%arg21 : memref<!tpu.dma_semaphore, #tpu.memory_space<semaphore_mem>>) src(%dma_wait3A_114 : memref<1024x4096xf32, #tpu.memory_space<hbm>>) dst(%arg13 : memref<1x4096xf32, #tpu.memory_space<vmem>>)
    %parallel_loop3A_115 = arith.constant 0 : i32
    %parallel_loop3A_116 = arith.constant 4096 : i32
    %parallel_loop3A_117 = arith.constant 16 : i32
    scf.for %parallel_loop3A_163 = %parallel_loop3A_115 to %parallel_loop3A_116 step %parallel_loop3A_117  : i32 {
      %parallel_loop3A_164 = arith.constant 0 : i32
      %parallel_loop3A_165 = arith.index_cast %parallel_loop3A_164 : i32 to index
      %parallel_loop3A_166 = arith.index_cast %parallel_loop3A_163 : i32 to index
      %parallel_loop3A_167 = tpu.vector_load %arg13[%parallel_loop3A_165, %parallel_loop3A_166] {strides = array<i32>} : memref<1x4096xf32, #tpu.memory_space<vmem>>, vector<1x16xf32>,
      %parallel_loop3A_168 = vector.shape_cast %parallel_loop3A_167 : vector<1x16xf32> to vector<16xf32>
      %parallel_loop3A_169 = arith.constant 0 : i32
      %parallel_loop3A_170 = arith.index_cast %parallel_loop3A_169 : i32 to index
      %parallel_loop3A_171 = arith.index_cast %parallel_loop3A_163 : i32 to index
      %parallel_loop3A_172 = tpu.vector_load %arg9[%parallel_loop3A_170, %parallel_loop3A_171] {strides = array<i32>} : memref<1x4096xf32, #tpu.memory_space<vmem>>, vector<1x16xf32>,
      %parallel_loop3A_173 = vector.shape_cast %parallel_loop3A_172 : vector<1x16xf32> to vector<16xf32>
      %parallel_loop3A_174 = vector.shape_cast %parallel_loop3A_168 : vector<16xf32> to vector<1x16xf32>
      tpu.vector_store %arg9[%parallel_loop3A_170, %parallel_loop3A_171], %parallel_loop3A_174 {add = true, strides = array<i32>} : memref<1x4096xf32, #tpu.memory_space<vmem>>, vector<1x16xf32>,
    } {sc.loop_unroll_factor = 4 : i64, sc.parallel_access}
    %mul3A_118 = arith.constant 4 : i32
    %mul3A_119 = arith.muli %add3A, %mul3A_118 : i32
    %add3A_120 = arith.constant 2 : i32
    %add3A_121 = arith.addi %mul3A_119, %add3A_120 : i32
    %dma_start3A_122 = arith.constant 0 : i32
    %dma_start3A_123 = tpu.memref_slice %arg5[%add3A_121, %dma_start3A_122] : memref<128x4096xf32, #tpu.memory_space<hbm>> -> memref<1x4096xf32, #tpu.memory_space<hbm>>
    %dma_start3A_124 = arith.constant 0 : i32
    %dma_start3A_125 = tpu.memref_slice %arg5[%add3A_121, %dma_start3A_124] : memref<128x4096xf32, #tpu.memory_space<hbm>> -> memref<1x4096xf32, #tpu.memory_space<hbm>>
    tpu.enqueue_dma source(%arg9 : memref<1x4096xf32, #tpu.memory_space<vmem>>) target(%dma_start3A_125 : memref<1x4096xf32, #tpu.memory_space<hbm>>) target_semaphore(%arg17 : memref<!tpu.dma_semaphore, #tpu.memory_space<semaphore_mem>>)
    %dma_wait3A_126 = arith.constant 24 : i32
    %dma_wait3A_127 = tpu.memref_slice %arg6[%dma_wait3A_126] : memref<32xi32, #tpu.memory_space<vmem>> -> memref<1xi32, #tpu.memory_space<vmem>>
    %dma_wait3A_128 = arith.constant 0 : i32
    %dma_wait3A_129 = arith.constant 0 : i32
    %dma_wait3A_130 = tpu.memref_slice %arg3[%dma_wait3A_128, %dma_wait3A_129] : memref<1024x4096xf32, #tpu.memory_space<hbm>> -> memref<1024x4096xf32, #tpu.memory_space<hbm>>
    tpu.wait_indirect_dma semaphore(%arg18 : memref<!tpu.dma_semaphore, #tpu.memory_space<semaphore_mem>>) src(%dma_wait3A_130 : memref<1024x4096xf32, #tpu.memory_space<hbm>>) dst(%arg10 : memref<1x4096xf32, #tpu.memory_space<vmem>>)
    %dma_wait3A_131 = arith.constant 24 : i32
    %dma_wait3A_132 = tpu.memref_slice %arg6[%dma_wait3A_131] : memref<32xi32, #tpu.memory_space<vmem>> -> memref<1xi32, #tpu.memory_space<vmem>>
    %dma_wait3A_133 = arith.constant 0 : i32
    %dma_wait3A_134 = arith.constant 0 : i32
    %dma_wait3A_135 = tpu.memref_slice %arg4[%dma_wait3A_133, %dma_wait3A_134] : memref<1024x4096xf32, #tpu.memory_space<hbm>> -> memref<1024x4096xf32, #tpu.memory_space<hbm>>
    tpu.wait_indirect_dma semaphore(%arg22 : memref<!tpu.dma_semaphore, #tpu.memory_space<semaphore_mem>>) src(%dma_wait3A_135 : memref<1024x4096xf32, #tpu.memory_space<hbm>>) dst(%arg14 : memref<1x4096xf32, #tpu.memory_space<vmem>>)
    %parallel_loop3A_136 = arith.constant 0 : i32
    %parallel_loop3A_137 = arith.constant 4096 : i32
    %parallel_loop3A_138 = arith.constant 16 : i32
    scf.for %parallel_loop3A_163 = %parallel_loop3A_136 to %parallel_loop3A_137 step %parallel_loop3A_138  : i32 {
      %parallel_loop3A_164 = arith.constant 0 : i32
      %parallel_loop3A_165 = arith.index_cast %parallel_loop3A_164 : i32 to index
      %parallel_loop3A_166 = arith.index_cast %parallel_loop3A_163 : i32 to index
      %parallel_loop3A_167 = tpu.vector_load %arg14[%parallel_loop3A_165, %parallel_loop3A_166] {strides = array<i32>} : memref<1x4096xf32, #tpu.memory_space<vmem>>, vector<1x16xf32>,
      %parallel_loop3A_168 = vector.shape_cast %parallel_loop3A_167 : vector<1x16xf32> to vector<16xf32>
      %parallel_loop3A_169 = arith.constant 0 : i32
      %parallel_loop3A_170 = arith.index_cast %parallel_loop3A_169 : i32 to index
      %parallel_loop3A_171 = arith.index_cast %parallel_loop3A_163 : i32 to index
      %parallel_loop3A_172 = tpu.vector_load %arg10[%parallel_loop3A_170, %parallel_loop3A_171] {strides = array<i32>} : memref<1x4096xf32, #tpu.memory_space<vmem>>, vector<1x16xf32>,
      %parallel_loop3A_173 = vector.shape_cast %parallel_loop3A_172 : vector<1x16xf32> to vector<16xf32>
      %parallel_loop3A_174 = vector.shape_cast %parallel_loop3A_168 : vector<16xf32> to vector<1x16xf32>
      tpu.vector_store %arg10[%parallel_loop3A_170, %parallel_loop3A_171], %parallel_loop3A_174 {add = true, strides = array<i32>} : memref<1x4096xf32, #tpu.memory_space<vmem>>, vector<1x16xf32>,
    } {sc.loop_unroll_factor = 4 : i64, sc.parallel_access}
    %mul3A_139 = arith.constant 4 : i32
    %mul3A_140 = arith.muli %add3A, %mul3A_139 : i32
    %add3A_141 = arith.constant 3 : i32
    %add3A_142 = arith.addi %mul3A_140, %add3A_141 : i32
    %dma_start3A_143 = arith.constant 0 : i32
    %dma_start3A_144 = tpu.memref_slice %arg5[%add3A_142, %dma_start3A_143] : memref<128x4096xf32, #tpu.memory_space<hbm>> -> memref<1x4096xf32, #tpu.memory_space<hbm>>
    %dma_start3A_145 = arith.constant 0 : i32
    %dma_start3A_146 = tpu.memref_slice %arg5[%add3A_142, %dma_start3A_145] : memref<128x4096xf32, #tpu.memory_space<hbm>> -> memref<1x4096xf32, #tpu.memory_space<hbm>>
    tpu.enqueue_dma source(%arg10 : memref<1x4096xf32, #tpu.memory_space<vmem>>) target(%dma_start3A_146 : memref<1x4096xf32, #tpu.memory_space<hbm>>) target_semaphore(%arg18 : memref<!tpu.dma_semaphore, #tpu.memory_space<semaphore_mem>>)
    %dma_wait3A_147 = arith.constant 0 : i32
    %dma_wait3A_148 = tpu.memref_slice %arg5[%add3A_79, %dma_wait3A_147] : memref<128x4096xf32, #tpu.memory_space<hbm>> -> memref<1x4096xf32, #tpu.memory_space<hbm>>
    %dma_wait3A_149 = arith.constant 0 : i32
    %dma_wait3A_150 = tpu.memref_slice %arg5[%add3A_79, %dma_wait3A_149] : memref<128x4096xf32, #tpu.memory_space<hbm>> -> memref<1x4096xf32, #tpu.memory_space<hbm>>
    tpu.wait_dma2 semaphore(%arg15 : memref<!tpu.dma_semaphore, #tpu.memory_space<semaphore_mem>>) src(%arg7 : memref<1x4096xf32, #tpu.memory_space<vmem>>) dst(%dma_wait3A_150 : memref<1x4096xf32, #tpu.memory_space<hbm>>)
    %dma_wait3A_151 = arith.constant 0 : i32
    %dma_wait3A_152 = tpu.memref_slice %arg5[%add3A_100, %dma_wait3A_151] : memref<128x4096xf32, #tpu.memory_space<hbm>> -> memref<1x4096xf32, #tpu.memory_space<hbm>>
    %dma_wait3A_153 = arith.constant 0 : i32
    %dma_wait3A_154 = tpu.memref_slice %arg5[%add3A_100, %dma_wait3A_153] : memref<128x4096xf32, #tpu.memory_space<hbm>> -> memref<1x4096xf32, #tpu.memory_space<hbm>>
    tpu.wait_dma2 semaphore(%arg16 : memref<!tpu.dma_semaphore, #tpu.memory_space<semaphore_mem>>) src(%arg8 : memref<1x4096xf32, #tpu.memory_space<vmem>>) dst(%dma_wait3A_154 : memref<1x4096xf32, #tpu.memory_space<hbm>>)
    %dma_wait3A_155 = arith.constant 0 : i32
    %dma_wait3A_156 = tpu.memref_slice %arg5[%add3A_121, %dma_wait3A_155] : memref<128x4096xf32, #tpu.memory_space<hbm>> -> memref<1x4096xf32, #tpu.memory_space<hbm>>
    %dma_wait3A_157 = arith.constant 0 : i32
    %dma_wait3A_158 = tpu.memref_slice %arg5[%add3A_121, %dma_wait3A_157] : memref<128x4096xf32, #tpu.memory_space<hbm>> -> memref<1x4096xf32, #tpu.memory_space<hbm>>
    tpu.wait_dma2 semaphore(%arg17 : memref<!tpu.dma_semaphore, #tpu.memory_space<semaphore_mem>>) src(%arg9 : memref<1x4096xf32, #tpu.memory_space<vmem>>) dst(%dma_wait3A_158 : memref<1x4096xf32, #tpu.memory_space<hbm>>)
    %dma_wait3A_159 = arith.constant 0 : i32
    %dma_wait3A_160 = tpu.memref_slice %arg5[%add3A_142, %dma_wait3A_159] : memref<128x4096xf32, #tpu.memory_space<hbm>> -> memref<1x4096xf32, #tpu.memory_space<hbm>>
    %dma_wait3A_161 = arith.constant 0 : i32
    %dma_wait3A_162 = tpu.memref_slice %arg5[%add3A_142, %dma_wait3A_161] : memref<128x4096xf32, #tpu.memory_space<hbm>> -> memref<1x4096xf32, #tpu.memory_space<hbm>>
    tpu.wait_dma2 semaphore(%arg18 : memref<!tpu.dma_semaphore, #tpu.memory_space<semaphore_mem>>) src(%arg10 : memref<1x4096xf32, #tpu.memory_space<vmem>>) dst(%dma_wait3A_162 : memref<1x4096xf32, #tpu.memory_space<hbm>>)
    return
  }
}

</mosaic_0001>

<sc_bundles>
// kernel: kernel.3.cloned.1.call-start
scs
__scs_entry_jumppad:
0x0: {  	(pc) =	sbr.rel $0x88, $3  }
0x1: {  	(tag) =	ssettag $0x0;
	lr =	simm.s32 $0x1  }
0x2: {  	[smem:$0x3F9E] =	sst lr;
	_ =	strace $0xD0000000  }
0x3: {  	_ = 	snop  }
0x4: {  	_ = 	snop  }
0x5: {  	_ = 	snop  }
0x6: {  	_ = 	snop  }
0x7: {  	_ = 	snop  }
__scs_overlays_trampoline_lowered:
0x8: {  	[smem:$0x3FAD] =	sst s0  }
0x9: {  	[smem:$0x3FAE] =	sst s1  }
0xa: {  	[smem:$0x3FAF] =	sst s2  }
0xb: {  	[smem:$0x3FB0] =	sst s3  }
0xc: {  	[smem:$0x3FB1] =	sst s4  }
0xd: {  	[smem:$0x3FB2] =	sst s5  }
0xe: {  	[smem:$0x3FB3] =	sst s6  }
0xf: {  	[smem:$0x3FB4] =	sst s7  }
0x10: {  	[smem:$0x3FB5] =	sst s8  }
0x11: {  	[smem:$0x3FB6] =	sst s9;
	s0 =	simm.s32 @!p0 $0x0  }
0x12: {  	s1 =	sld [smem:$0x3F9C];
	s0 =	simm.s32 @p0 $0x1  }
0x13: {  	[smem:$0x3FB7] =	sst s0;
	s0 =	simm.s32 @!p1 $0x0  }
0x14: {  	s2 =	sld [smem:$0x3F9B];
	s0 =	simm.s32 @p1 $0x1  }
0x15: {  	[smem:$0x3FB8] =	sst s0;
	s0 =	simm.s32 @!p2 $0x0  }
0x16: {  	s3 =	sld [smem:$0x3FDB];
	s0 =	simm.s32 @p2 $0x1  }
0x17: {  	s4 =	simm.s32 $0x1BF5;
	[smem:$0x3FBA] =	sst s0  }
0x18: {  	s0 =	sld [smem:$0x3F9D];
	_ =	swait.ge [sflag:s4], $0x0  }
0x19: {  	s7 =	sld [smem:$0x3F9E]  }
0x1a: {  	s8 =	sadd.s32 $0xFFFFE003, lr  }
0x1b: {  	s9 =	sadd.s32 $0xFFFFFEF7, lr;
	s5 =	simm.s32 $0xFFFFFFFF;
	p2 =	slt.u32 s8, $0xFFFFF086  }
0x1c: {  	p1 =	slt.u32 s9, $0xF7A;
	s5 =	simm.s32 @!p2 $0x0  }
0x1d: {  	s5 =	simm.s32 @p1 $0x1;
	p0 =	seq.s32 s7, s2  }
0x1e: {  	s7 =	smul.u32 @!p0 $0xF7A, s2;
	p2 =	seq.s32 @!p0 s5, $0x0  }
0x1f: {  	s9 =	smul.u32 $0xF7A, s1;
	s8 =	simm.s32 @!p0 $0x1BF5;
	p2 =	por !p2, p0  }
0x20: {  	[sflag:s8] =	ssyncset.s32 @!p0 $0xFFFFF086;
	s6 =	sadd.s32 @!p0 s3, s7;
	s7 =	simm.s32 @!p0 $0x108  }
0x21: {  	s3 =	sadd.s32 s3, s9;
	s6 =	sadd.s32 @!p0 $0x88, s6;
	s7 =	simm.s32 @p2 $0x1082  }
0x22: {  	[simem:s7], [sflag:s8] =	dma.local @!p0 [hbm:s6], $0xF7A  }
0x23: {  	s9 =	sor.u32 $0xD0000000, s2;
	s6 =	simm.s32 $0x108;
	_ =	swait.ge @!p0 [sflag:s8], $0x0  }
0x24: {  	s3 =	sadd.s32 $0x88, s3;
	s6 =	simm.s32 @!p1 $0x1082;
	[sflag:s4] =	ssyncset.s32 $0xFFFFF086  }
0x25: {  	[simem:s6], [sflag:s4] =	dma.local [hbm:s3], $0xF7A  }
0x26: {  	[smem:$0x3F9E] =	sst s1;
	(tag) =	ssettag s2;
	_ =	strace s9  }
0x27: {  	s1 =	sld [smem:$0x3FAE]  }
0x28: {  	s2 =	sld [smem:$0x3FAF]  }
0x29: {  	s4 =	sld [smem:$0x3FB1]  }
0x2a: {  	p0 =	seq.s32 s5, $0x0;
	s5 =	sld [smem:$0x3FB2]  }
0x2b: {  	s6 =	sld [smem:$0x3FB3]  }
0x2c: {  	s7 =	sld [smem:$0x3FB4]  }
0x2d: {  	s3 =	simm.s32 $0x108;
	s8 =	sld [smem:$0x3FB5]  }
0x2e: {  	s3 =	simm.s32 @!p0 $0x1082;
	s9 =	sld [smem:$0x3FB6]  }
0x2f: {  	lr =	sadd.s32 s0, s3;
	s0 =	sld [smem:$0x3FAD]  }
0x30: {  	s3 =	sld [smem:$0x3FB0]  }
0x31: {  	[smem:$0x3FB9] =	sst s10  }
0x32: {  	s10 =	sld [smem:$0x3FB7];
	_ =	sdelay $0x3  }
0x33: {  	p0 =	seq.s32 s10, $0x1;
	s10 =	sld [smem:$0x3FB9];
	_ =	sdelay $0x3  }
0x34: {  	[smem:$0x3FB9] =	sst s10  }
0x35: {  	s10 =	sld [smem:$0x3FB8];
	_ =	sdelay $0x3  }
0x36: {  	p1 =	seq.s32 s10, $0x1;
	s10 =	sld [smem:$0x3FB9];
	_ =	sdelay $0x3  }
0x37: {  	[smem:$0x3FB9] =	sst s10  }
0x38: {  	s10 =	sld [smem:$0x3FBA]  }
0x39: {  	_ = 	snop;
	(pc) =	sbr.ind lr, $3  }
0x3a: {  	_ = 	snop  }
0x3b: {  	_ = 	snop  }
0x3c: {  	p2 =	seq.s32 s10, $0x1;
	s10 =	sld [smem:$0x3FB9]  }
0x3d: {  	_ =	shalt  }
0x3e: {  	_ =	shalt  }
0x3f: {  	_ =	shalt  }
0x40: {  	_ =	shalt  }
0x41: {  	_ =	shalt  }
0x42: {  	_ =	shalt  }
0x43: {  	_ =	shalt  }
0x44: {  	_ =	shalt  }
0x45: {  	_ =	shalt  }
0x46: {  	_ =	shalt  }
0x47: {  	_ =	shalt  }
0x48: {  	_ =	shalt  }
0x49: {  	_ =	shalt  }
0x4a: {  	_ =	shalt  }
0x4b: {  	_ =	shalt  }
0x4c: {  	_ =	shalt  }
0x4d: {  	_ =	shalt  }
0x4e: {  	_ =	shalt  }
0x4f: {  	_ =	shalt  }
0x50: {  	_ =	shalt  }
0x51: {  	_ =	shalt  }
0x52: {  	_ =	shalt  }
0x53: {  	_ =	shalt  }
0x54: {  	_ =	shalt  }
0x55: {  	_ =	shalt  }
0x56: {  	_ =	shalt  }
0x57: {  	_ =	shalt  }
0x58: {  	_ =	shalt  }
0x59: {  	_ =	shalt  }
0x5a: {  	_ =	shalt  }
0x5b: {  	_ =	shalt  }
0x5c: {  	_ =	shalt  }
0x5d: {  	_ =	shalt  }
0x5e: {  	_ =	shalt  }
0x5f: {  	_ =	shalt  }
0x60: {  	_ =	shalt  }
0x61: {  	_ =	shalt  }
0x62: {  	_ =	shalt  }
0x63: {  	_ =	shalt  }
0x64: {  	_ =	shalt  }
0x65: {  	_ =	shalt  }
0x66: {  	_ =	shalt  }
0x67: {  	_ =	shalt  }
0x68: {  	_ =	shalt  }
0x69: {  	_ =	shalt  }
0x6a: {  	_ =	shalt  }
0x6b: {  	_ =	shalt  }
0x6c: {  	_ =	shalt  }
0x6d: {  	_ =	shalt  }
0x6e: {  	_ =	shalt  }
0x6f: {  	_ =	shalt  }
0x70: {  	_ =	shalt  }
0x71: {  	_ =	shalt  }
0x72: {  	_ =	shalt  }
0x73: {  	_ =	shalt  }
0x74: {  	_ =	shalt  }
0x75: {  	_ =	shalt  }
0x76: {  	_ =	shalt  }
0x77: {  	_ =	shalt  }
0x78: {  	_ =	shalt  }
0x79: {  	_ =	shalt  }
0x7a: {  	_ =	shalt  }
0x7b: {  	_ =	shalt  }
0x7c: {  	_ =	shalt  }
0x7d: {  	_ =	shalt  }
0x7e: {  	_ =	shalt  }
0x7f: {  	_ =	shalt  }
0x80: {  	_ =	shalt  }
0x81: {  	_ =	shalt  }
0x82: {  	_ =	shalt  }
0x83: {  	_ =	shalt  }
0x84: {  	_ =	shalt  }
0x85: {  	_ =	shalt  }
0x86: {  	_ =	shalt  }
0x87: {  	_ =	shalt  }
.Lfunc_end0:
.L_simem_size_0:
called_computation_lowered:
.L_overlay_start_0:
0x88: {  	s2 =	sld [smem:$0x3FD9]  }
0x89: {  	s3 =	sld [smem:$0x3FFE];
	_ =	sdelay $0x1  }
0x8a: {  	s1 =	srdreg.scid  }
0x8b: {  	s0 =	sand.u32 $0x1, s1  }
0x8c: {  	s18 =	sshll.u32 s0, $0xA;
	s2 =	sadd.s32 s3, s2  }
0x8d: {  	s2 =	sadd.s32 s2, s18  }
0x8e: {  	[smem:$0x3FC5] =	sst s2  }
0x8f: {  	_ = 	snop  }
0x90: {  	s2 =	sld [smem:$0x3FC9]  }
0x91: {  	s19 =	sld [smem:$0x3FC8]  }
0x92: {  	s4 =	sld [smem:$0x3FC7]  }
0x93: {  	s5 =	sld [smem:$0x3FD0];
	(tm) =	ssettm $0x1  }
0x94: {  	s6 =	sld [smem:$0x3FFB];
	_ =	sdelay $0x3  }
0x95: {  	_ =	strace s6  }
0x96: {  	s6 =	sld [smem:$0x3FFC];
	_ =	sdelay $0x3  }
0x97: {  	_ =	strace s6  }
0x98: {  	s6 =	sld [smem:$0x3FFD];
	_ =	sdelay $0x3  }
0x99: {  	_ =	strace s6  }
0x9a: {  	_ =	strace $0x8FFFFFFF  }
0x9b: {  	s20 =	sld [smem:$0x3FDB];
	_ =	sdelay $0x1  }
0x9c: {  	s7 =	simm.s32 $_scs_section_size  }
0x9d: {  	s8 =	simm.s32 $_size__tile_overlayer_lowered;
	s9 =	simm.s32 $_tile_overlayer_lowered  }
0x9e: {  	s23 =	simm.s32 $0x1BFF;
	s22 =	sshll.u32 s9, $0x1;
	s6 =	sadd.s32 s7, s20  }
0x9f: {  	s10 =	simm.s32 $0x0;
	s21 =	sshll.u32 s8, $0x1;
	s8 =	sadd.s32 s22, s6  }
0xa0: {  	[timem:s10], [sflag:s23] =	dma.local [hbm:s8], s21  }
0xa1: {  	_ =	swait.ge [sflag:s23], s21  }
0xa2: {  	s7 =	ssub.s32 $0x0, s21;
	[sflag:s23] =	ssyncset.done $0x0  }
0xa3: {  	[sflag:s23] =	ssyncadd.s32 s7;
	_ =	sdelay $0x1  }
0xa4: {  	s24 =	simm.s32 $0x1B8B  }
0xa5: {  	_ =	swait.ge [sflag:s24], $0x1  }
0xa6: {  	[sflag:s24] =	ssyncset.done $0x0  }
0xa7: {  	s25 =	simm.s32 $0x1B8E;
	[sflag:s24] =	ssyncadd.s32 $0xFFFFFFFF  }
0xa8: {  	s26 =	simm.s32 $execute0_lowered;
	[smem:$0x3FD2] =	sst s25  }
0xa9: {  	s7 =	sshll.u32 s26, $0x1;
	_ =	strace $0x80000046;
	[dreg:$0x1] =	wrdreg $0xFFFFFFFF  }
0xaa: {  	s28 =	simm.s32 $_size_execute0_lowered;
	s6 =	sadd.s32 s6, s7;
	[dreg:$0x0] =	wrdreg $0x0  }
0xab: {  	s7 =	sshll.u32 s28, $0x1;
	[dreg:$0x2] =	wrdreg s6  }
0xac: {  	[dreg:$0x3] =	wrdreg s7  }
0xad: {  	[dreg:$0x4] =	wrdreg $0xC0  }
0xae: {  	_ =	task [dreg:s10], $0x5FFFF  }
0xaf: {  	[dreg:$0x1] =	wrdreg $0xFFFFFFFF  }
0xb0: {  	[dreg:$0x0] =	wrdreg $0x60  }
0xb1: {  	[dreg:$0x2] =	wrdreg s2  }
0xb2: {  	[dreg:$0x3] =	wrdreg s19  }
0xb3: {  	[dreg:$0x4] =	wrdreg s4  }
0xb4: {  	[dreg:$0x5] =	wrdreg s5  }
0xb5: {  	[dreg:$0x6] =	wrdreg $0x9  }
0xb6: {  	_ =	task.clear_ibuf [dreg:s10], $0x7FFFF;
	_ =	strace $0x90000046  }
0xb7: {  	s29 =	simm.s32 $0x9;
	_ =	strace $0x80000048  }
0xb8: {  	_ =	swait.ge [sflag:s29], $0x1  }
0xb9: {  	[sflag:s29] =	ssyncadd.s32 $0xFFFFFFFF  }
0xba: {  	_ =	strace $0x90000048  }
0xbb: {  	_ =	sfence  }
0xbc: {  	s30 =	sld [smem:$0x0];
	_ =	sdelay $0x2  }
0xbd: {  	s31 =	sshll.u32 s1, $0xD;
	s1 =	sshrl.u32 s1, $0x2  }
0xbe: {  	s3 =	sand.u32 $0x4000, s31;
	s1 =	sadd.s32 s1, s30  }
0xbf: {  	s0 =	sor.u32 s3, s0;
	s1 =	sshll.u32 s1, $0x11  }
0xc0: {  	s0 =	sor.u32 s1, s0  }
0xc1: {  	s0 =	sadd.s32 $0x8F2B, s0  }
0xc2: {  	[sflag:s0] =	ssyncadd.remote.s32 $0x1  }
0xc3: {  	_ =	sfence.sel $0xFFFF  }
0xc4: {  	[dreg:$0x0] =	wrdreg $0xFFFFFFFF;
	(pc) =	sbr.abs _section_cstart, $3  }
0xc5: {  	[dreg:$0x1] =	wrdreg $0xFFFFFFFF  }
0xc6: {  	_ =	task.clear_ibuf [dreg:s10], $0x2FFFF;
	_ =	strace $0x9FFFFFFF  }
0xc7: {  	(tm) =	ssettm $0x7FFFFFFF  }
tec
execute0_lowered:
.L_overlay_start_1:
0x0: {  	(tag) =	ssettag $0x1  }
0x1: {  	s2 =	rddreg [dreg:$0x1]  }
0x2: {  	s3 =	rddreg [dreg:$0x2]  }
0x3: {  	s0 =	rddreg [dreg:$0x3];
	s4 =	simm.s32 $0x0  }
0x4: {  	s1 =	srdreg.scid;
	s9 =	stileid.u32;
	s13 =	simm.s32 $0x9  }
0x5: {  	s14 =	simm.s32 $0x80;
	s18 =	simm.s32 $0x1080;
	s22 =	simm.s32 $0x2080  }
0x6: {  	s26 =	simm.s32 $0x3080;
	s28 =	simm.s32 $0x3880;
	s29 =	simm.s32 $0x7080  }
0x7: {  	s30 =	simm.s32 $0x7880;
	s31 =	simm.s32 $0x1;
	s16 =	simm.s32 $0x3  }
0x8: {  	s17 =	simm.s32 $0x7;
	s19 =	simm.s32 $0x4;
	s20 =	simm.s32 $0x8  }
0x9: {  	s21 =	simm.s32 $0x0;
	[smem:$0x7FF] =	sst s4;
	s1 =	sand.u32 $0x1, s1  }
0xa: {  	s7 =	sshll.u32 s9, $0xC;
	s9 =	sshll.u32 s9, $0x3;
	_ =	strace $0x80000047  }
0xb: {  	s5 =	ssub.s32 $0x2, s1;
	s8 =	sshll.u32 s1, $0x6;
	s1 =	sshll.u32 s1, $0x2  }
0xc: {  	v3 =	vlaneseq.u32;
	s6 =	sshrl.u32 s5, $0x1;
	s7 =	sor.u32 s8, s7;
	s15 =	sor.u32 s1, s9  }
0xd: {  	v0 =	vshrl.u32 v3, $0x3;
	s8 =	sadd.s32 $0x800, s3;
	s1 =	simm.s32 $0x2;
	s5 =	ssub.s32 s5, s6  }
0xe: {  	v1 =	vor.u32 $0x2, v0;
	s6 =	sadd.s32 s0, s7;
	s7 =	sadd.s32 $0x800, s2;
	s0 =	simm.s32 $0x5  }
0xf: {  	v0 =	vor.u32 s15, v0;
	v1 =	vor.u32 s15, v1;
	s15 =	simm.s32 $0x6;
	s9 =	sadd.s32 $0x10, s6;
	s10 =	sadd.s32 $0x20, s6  }
0x10: {  	v2 =	vimm.s32 $0x0;
	vm0 =	vmmov $0xffff;
	v3 =	vmul.u32 $0x8, v3;
	s11 =	sadd.s32 $0x30, s6;
	s12 =	smax.u32 s5, $0x1;
	s5 =	simm.s32 $0x400  }
.LBB2_1:
0x11: {  	s23 =	rddreg [dreg:$0x0]  }
0x12: {  	[tilespmem:s4], [sflag:$0x9] =	stream.linear.gather [hbm4b:s23+s4], $0x1, $0x38;
	[tilespmem:$0x8080] =	vst v63  }
0x13: {  	_ =	swait.ge [sflag:s13], $0x1  }
0x14: {  	[sflag:s13] =	ssyncset.done $0x0  }
0x15: {  	[sflag:s13] =	ssyncadd.s32 $0xFFFFFFFF  }
0x16: {  	v4 =	vld [tilespmem:$0x0];
	_ =	sdelay $0x4  }
0x17: {  	v4 =	vperm.xlane v4, v2;
	_ =	sdelay $0x1  }
0x18: {  	v4 =	vshll.u32 v4, $0x7  }
0x19: {  	v5 =	vor.u32 v0, v4  }
0x1a: {  	[tilespmem:$0x0] =	vst v5  }
0x1b: {  	v5 =	vld.msk [tilespmem:$0x0], $0x1;
	_ =	sdelay $0x4  }
0x1c: {  	v6 =	vshll.u32 v5, $0x5  }
0x1d: {  	v5 =	vand.u32 $0x7, v5;
	v6 =	vand.u32 $0xFFFFFF00, v6  }
0x1e: {  	v5 =	vor.u32 v5, v6  }
0x1f: {  	v5 =	vperm.xlane v5, v2;
	_ =	sdelay $0x1  }
0x20: {  	v5 =	vadd.s32 v3, v5;
	_ =	sdelay $0x2  }
0x21: {  	v4 =	vor.u32 v1, v4  }
0x22: {  	[tilespmem:$0x10] =	vst v4  }
0x23: {  	[tilespmem:s14], [sflag:$0x1] =	stream.indirect_vreg.gather [hbm4b:s2+s4], $0x80, v5, vm0, $0xb8;
	[tilespmem:$0x8080] =	vst v63  }
0x24: {  	s25 =	simm.s32 $0x880  }
0x25: {  	[tilespmem:s25], [sflag:$0x1] =	stream.indirect_vreg.gather [hbm4b:s7+s4], $0x80, v5, vm0, $0xb8;
	[tilespmem:$0x8080] =	vst v63  }
0x26: {  	v4 =	vld.msk [tilespmem:$0x0], $0x1;
	_ =	sdelay $0x4  }
0x27: {  	v5 =	vshll.u32 v4, $0x5  }
0x28: {  	v4 =	vand.u32 $0x7, v4;
	v5 =	vand.u32 $0xFFFFFF00, v5  }
0x29: {  	v4 =	vor.u32 v4, v5  }
0x2a: {  	v4 =	vperm.xlane v4, v2;
	_ =	sdelay $0x1  }
0x2b: {  	v4 =	vadd.s32 v3, v4;
	_ =	sdelay $0x3  }
0x2c: {  	s24 =	simm.s32 $0x4080  }
0x2d: {  	[tilespmem:s24], [sflag:$0x5] =	stream.indirect_vreg.gather [hbm4b:s3+s4], $0x80, v4, vm0, $0xb8;
	[tilespmem:$0x8080] =	vst v63  }
0x2e: {  	s25 =	simm.s32 $0x4880  }
0x2f: {  	[tilespmem:s25], [sflag:$0x5] =	stream.indirect_vreg.gather [hbm4b:s8+s4], $0x80, v4, vm0, $0xb8;
	[tilespmem:$0x8080] =	vst v63  }
0x30: {  	v4 =	vld.msk [tilespmem:$0x8], $0x1;
	_ =	sdelay $0x4  }
0x31: {  	v5 =	vshll.u32 v4, $0x5  }
0x32: {  	v4 =	vand.u32 $0x7, v4;
	v5 =	vand.u32 $0xFFFFFF00, v5  }
0x33: {  	v4 =	vor.u32 v4, v5  }
0x34: {  	v4 =	vperm.xlane v4, v2;
	_ =	sdelay $0x1  }
0x35: {  	v4 =	vadd.s32 v3, v4;
	_ =	sdelay $0x4  }
0x36: {  	[tilespmem:s18], [sflag:$0x2] =	stream.indirect_vreg.gather [hbm4b:s2+s4], $0x80, v4, vm0, $0xb8;
	[tilespmem:$0x8080] =	vst v63  }
0x37: {  	s24 =	simm.s32 $0x1880  }
0x38: {  	[tilespmem:s24], [sflag:$0x2] =	stream.indirect_vreg.gather [hbm4b:s7+s4], $0x80, v4, vm0, $0xb8;
	[tilespmem:$0x8080] =	vst v63  }
0x39: {  	v4 =	vld.msk [tilespmem:$0x8], $0x1;
	_ =	sdelay $0x4  }
0x3a: {  	v5 =	vshll.u32 v4, $0x5  }
0x3b: {  	v4 =	vand.u32 $0x7, v4;
	v5 =	vand.u32 $0xFFFFFF00, v5  }
0x3c: {  	v4 =	vor.u32 v4, v5  }
0x3d: {  	v4 =	vperm.xlane v4, v2;
	_ =	sdelay $0x1  }
0x3e: {  	v4 =	vadd.s32 v3, v4;
	_ =	sdelay $0x3  }
0x3f: {  	s25 =	simm.s32 $0x5080  }
0x40: {  	[tilespmem:s25], [sflag:$0x6] =	stream.indirect_vreg.gather [hbm4b:s3+s4], $0x80, v4, vm0, $0xb8;
	[tilespmem:$0x8080] =	vst v63  }
0x41: {  	s24 =	simm.s32 $0x5880  }
0x42: {  	[tilespmem:s24], [sflag:$0x6] =	stream.indirect_vreg.gather [hbm4b:s8+s4], $0x80, v4, vm0, $0xb8;
	[tilespmem:$0x8080] =	vst v63  }
0x43: {  	v4 =	vld.msk [tilespmem:$0x10], $0x1;
	_ =	sdelay $0x4  }
0x44: {  	v5 =	vshll.u32 v4, $0x5  }
0x45: {  	v4 =	vand.u32 $0x7, v4;
	v5 =	vand.u32 $0xFFFFFF00, v5  }
0x46: {  	v4 =	vor.u32 v4, v5  }
0x47: {  	v4 =	vperm.xlane v4, v2;
	_ =	sdelay $0x1  }
0x48: {  	v4 =	vadd.s32 v3, v4;
	_ =	sdelay $0x4  }
0x49: {  	[tilespmem:s22], [sflag:$0x3] =	stream.indirect_vreg.gather [hbm4b:s2+s4], $0x80, v4, vm0, $0xb8;
	[tilespmem:$0x8080] =	vst v63  }
0x4a: {  	s25 =	simm.s32 $0x2880  }
0x4b: {  	[tilespmem:s25], [sflag:$0x3] =	stream.indirect_vreg.gather [hbm4b:s7+s4], $0x80, v4, vm0, $0xb8;
	[tilespmem:$0x8080] =	vst v63  }
0x4c: {  	v4 =	vld.msk [tilespmem:$0x10], $0x1;
	_ =	sdelay $0x4  }
0x4d: {  	v5 =	vshll.u32 v4, $0x5  }
0x4e: {  	v4 =	vand.u32 $0x7, v4;
	v5 =	vand.u32 $0xFFFFFF00, v5  }
0x4f: {  	v4 =	vor.u32 v4, v5  }
0x50: {  	v4 =	vperm.xlane v4, v2;
	_ =	sdelay $0x1  }
0x51: {  	v4 =	vadd.s32 v3, v4;
	_ =	sdelay $0x3  }
0x52: {  	s24 =	simm.s32 $0x6080  }
0x53: {  	[tilespmem:s24], [sflag:$0x7] =	stream.indirect_vreg.gather [hbm4b:s3+s4], $0x80, v4, vm0, $0xb8;
	[tilespmem:$0x8080] =	vst v63  }
0x54: {  	s25 =	simm.s32 $0x6880  }
0x55: {  	[tilespmem:s25], [sflag:$0x7] =	stream.indirect_vreg.gather [hbm4b:s8+s4], $0x80, v4, vm0, $0xb8;
	[tilespmem:$0x8080] =	vst v63  }
0x56: {  	v4 =	vld.msk [tilespmem:$0x18], $0x1;
	_ =	sdelay $0x4  }
0x57: {  	v5 =	vshll.u32 v4, $0x5  }
0x58: {  	v4 =	vand.u32 $0x7, v4;
	v5 =	vand.u32 $0xFFFFFF00, v5  }
0x59: {  	v4 =	vor.u32 v4, v5  }
0x5a: {  	v4 =	vperm.xlane v4, v2;
	_ =	sdelay $0x1  }
0x5b: {  	v4 =	vadd.s32 v3, v4;
	_ =	sdelay $0x4  }
0x5c: {  	[tilespmem:s26], [sflag:$0x4] =	stream.indirect_vreg.gather [hbm4b:s2+s4], $0x80, v4, vm0, $0xb8;
	[tilespmem:$0x8080] =	vst v63  }
0x5d: {  	_ = 	snop  }
0x5e: {  	[tilespmem:s28], [sflag:$0x4] =	stream.indirect_vreg.gather [hbm4b:s7+s4], $0x80, v4, vm0, $0xb8;
	[tilespmem:$0x8080] =	vst v63  }
0x5f: {  	v4 =	vld.msk [tilespmem:$0x18], $0x1;
	_ =	sdelay $0x4  }
0x60: {  	v5 =	vshll.u32 v4, $0x5  }
0x61: {  	v4 =	vand.u32 $0x7, v4;
	v5 =	vand.u32 $0xFFFFFF00, v5  }
0x62: {  	v4 =	vor.u32 v4, v5  }
0x63: {  	v4 =	vperm.xlane v4, v2;
	_ =	sdelay $0x1  }
0x64: {  	v4 =	vadd.s32 v3, v4;
	_ =	sdelay $0x4  }
0x65: {  	[tilespmem:s29], [sflag:$0x8] =	stream.indirect_vreg.gather [hbm4b:s3+s4], $0x80, v4, vm0, $0xb8;
	[tilespmem:$0x8080] =	vst v63  }
0x66: {  	_ = 	snop  }
0x67: {  	[tilespmem:s30], [sflag:$0x8] =	stream.indirect_vreg.gather [hbm4b:s8+s4], $0x80, v4, vm0, $0xb8;
	[tilespmem:$0x8080] =	vst v63  }
0x68: {  	_ =	swait.ge [sflag:s31], $0x1000  }
0x69: {  	[sflag:s31] =	ssyncset.done $0x0  }
0x6a: {  	[sflag:s31] =	ssyncadd.s32 $0xFFFFF000  }
0x6b: {  	_ =	swait.ge [sflag:s0], $0x1000  }
0x6c: {  	[sflag:s0] =	ssyncset.done $0x0  }
0x6d: {  	s24 =	simm.s32 $0x40A0;
	[sflag:s0] =	ssyncadd.s32 $0xFFFFF000  }
0x6e: {  	v5 =	vld [tilespmem:s24+$0x10]  }
0x6f: {  	v6 =	vld [tilespmem:s24+$0xFFFFFFF0]  }
0x70: {  	v7 =	vld [tilespmem:s24+$0x0]  }
0x71: {  	v4 =	vld [tilespmem:s24+$0xFFFFFFE0]  }
0x72: {  	s23 =	simm.s32 $0xB0  }
0x73: {  	[tilespmem:s23+$0x0] =	vst.add.f32.msk $0xffff, v5  }
0x74: {  	[tilespmem:s23+$0xFFFFFFE0] =	vst.add.f32.msk $0xffff, v6  }
0x75: {  	s25 =	simm.s32 $0x40E0;
	s24 =	simm.s32 $0x0;
	[tilespmem:s23+$0xFFFFFFF0] =	vst.add.f32.msk $0xffff, v7  }
.LBB2_2:
0x76: {  	v5 =	vld [tilespmem:s25+$0x10];
	s24 =	sadd.s32 $0x40, s24;
	v6 =	vmov v4  }
0x77: {  	v7 =	vld [tilespmem:s25+$0xFFFFFFF0];
	p0 =	slt.u32 s24, $0xFC0  }
0x78: {  	v8 =	vld [tilespmem:s25+$0x0]  }
.Ltmp0:
0x79: {  	v4 =	vld [tilespmem:s25+$0xFFFFFFE0];
	(pc) =	sbr.rel @p0 .LBB2_2-.Ltmp0, $4  }
0x7a: {  	[tilespmem:s23+$0xFFFFFFD0] =	vst.add.f32.msk $0xffff, v6;
	s23 =	sadd.s32 $0x40, s23  }
0x7b: {  	[tilespmem:s23+$0x0] =	vst.add.f32.msk $0xffff, v5  }
0x7c: {  	[tilespmem:s23+$0xFFFFFFE0] =	vst.add.f32.msk $0xffff, v7  }
0x7d: {  	s25 =	sadd.s32 $0x40, s25;
	[tilespmem:s23+$0xFFFFFFF0] =	vst.add.f32.msk $0xffff, v8  }
0x7e: {  	[tilespmem:s23+$0xFFFFFFD0] =	vst.add.f32.msk $0xffff, v4  }
0x7f: {  	[hbm4b:s6+s14] =	stream.strided.scatter [tilespmem:s14], [sflag:$0x1], $0x1000, s5, s14, $0x38;
	[tilespmem:$0x8080] =	vst v63  }
0x80: {  	_ =	swait.ge [sflag:s1], $0x1000  }
0x81: {  	[sflag:s1] =	ssyncset.done $0x0  }
0x82: {  	[sflag:s1] =	ssyncadd.s32 $0xFFFFF000  }
0x83: {  	_ =	swait.ge [sflag:s15], $0x1000  }
0x84: {  	[sflag:s15] =	ssyncset.done $0x0  }
0x85: {  	s24 =	simm.s32 $0x50A0;
	[sflag:s15] =	ssyncadd.s32 $0xFFFFF000  }
0x86: {  	v5 =	vld [tilespmem:s24+$0x10]  }
0x87: {  	v6 =	vld [tilespmem:s24+$0xFFFFFFF0]  }
0x88: {  	v7 =	vld [tilespmem:s24+$0x0]  }
0x89: {  	v4 =	vld [tilespmem:s24+$0xFFFFFFE0]  }
0x8a: {  	s23 =	simm.s32 $0x10B0  }
0x8b: {  	[tilespmem:s23+$0x0] =	vst.add.f32.msk $0xffff, v5  }
0x8c: {  	[tilespmem:s23+$0xFFFFFFE0] =	vst.add.f32.msk $0xffff, v6  }
0x8d: {  	s25 =	simm.s32 $0x50E0;
	s24 =	simm.s32 $0x0;
	[tilespmem:s23+$0xFFFFFFF0] =	vst.add.f32.msk $0xffff, v7  }
.LBB2_4:
0x8e: {  	v5 =	vld [tilespmem:s25+$0x10];
	s24 =	sadd.s32 $0x40, s24;
	v6 =	vmov v4  }
0x8f: {  	v7 =	vld [tilespmem:s25+$0xFFFFFFF0];
	p0 =	slt.u32 s24, $0xFC0  }
0x90: {  	v8 =	vld [tilespmem:s25+$0x0]  }
.Ltmp1:
0x91: {  	v4 =	vld [tilespmem:s25+$0xFFFFFFE0];
	(pc) =	sbr.rel @p0 .LBB2_4-.Ltmp1, $4  }
0x92: {  	[tilespmem:s23+$0xFFFFFFD0] =	vst.add.f32.msk $0xffff, v6;
	s23 =	sadd.s32 $0x40, s23  }
0x93: {  	[tilespmem:s23+$0x0] =	vst.add.f32.msk $0xffff, v5  }
0x94: {  	[tilespmem:s23+$0xFFFFFFE0] =	vst.add.f32.msk $0xffff, v7  }
0x95: {  	s25 =	sadd.s32 $0x40, s25;
	[tilespmem:s23+$0xFFFFFFF0] =	vst.add.f32.msk $0xffff, v8  }
0x96: {  	[tilespmem:s23+$0xFFFFFFD0] =	vst.add.f32.msk $0xffff, v4  }
0x97: {  	[hbm4b:s9+s14] =	stream.strided.scatter [tilespmem:s18], [sflag:$0x2], $0x1000, s5, s14, $0x38;
	[tilespmem:$0x8080] =	vst v63  }
0x98: {  	_ =	swait.ge [sflag:s16], $0x1000  }
0x99: {  	[sflag:s16] =	ssyncset.done $0x0  }
0x9a: {  	[sflag:s16] =	ssyncadd.s32 $0xFFFFF000  }
0x9b: {  	_ =	swait.ge [sflag:s17], $0x1000  }
0x9c: {  	[sflag:s17] =	ssyncset.done $0x0  }
0x9d: {  	s24 =	simm.s32 $0x60A0;
	[sflag:s17] =	ssyncadd.s32 $0xFFFFF000  }
0x9e: {  	v5 =	vld [tilespmem:s24+$0x10]  }
0x9f: {  	v6 =	vld [tilespmem:s24+$0xFFFFFFF0]  }
0xa0: {  	v7 =	vld [tilespmem:s24+$0x0]  }
0xa1: {  	v4 =	vld [tilespmem:s24+$0xFFFFFFE0]  }
0xa2: {  	s23 =	simm.s32 $0x20B0  }
0xa3: {  	[tilespmem:s23+$0x0] =	vst.add.f32.msk $0xffff, v5  }
0xa4: {  	[tilespmem:s23+$0xFFFFFFE0] =	vst.add.f32.msk $0xffff, v6  }
0xa5: {  	s25 =	simm.s32 $0x60E0;
	s24 =	simm.s32 $0x0;
	[tilespmem:s23+$0xFFFFFFF0] =	vst.add.f32.msk $0xffff, v7  }
.LBB2_6:
0xa6: {  	v5 =	vld [tilespmem:s25+$0x10];
	s24 =	sadd.s32 $0x40, s24;
	v6 =	vmov v4  }
0xa7: {  	v7 =	vld [tilespmem:s25+$0xFFFFFFF0];
	p0 =	slt.u32 s24, $0xFC0  }
0xa8: {  	v8 =	vld [tilespmem:s25+$0x0]  }
.Ltmp2:
0xa9: {  	v4 =	vld [tilespmem:s25+$0xFFFFFFE0];
	(pc) =	sbr.rel @p0 .LBB2_6-.Ltmp2, $4  }
0xaa: {  	[tilespmem:s23+$0xFFFFFFD0] =	vst.add.f32.msk $0xffff, v6;
	s23 =	sadd.s32 $0x40, s23  }
0xab: {  	[tilespmem:s23+$0x0] =	vst.add.f32.msk $0xffff, v5  }
0xac: {  	[tilespmem:s23+$0xFFFFFFE0] =	vst.add.f32.msk $0xffff, v7  }
0xad: {  	s25 =	sadd.s32 $0x40, s25;
	[tilespmem:s23+$0xFFFFFFF0] =	vst.add.f32.msk $0xffff, v8  }
0xae: {  	[tilespmem:s23+$0xFFFFFFD0] =	vst.add.f32.msk $0xffff, v4  }
0xaf: {  	[hbm4b:s10+s14] =	stream.strided.scatter [tilespmem:s22], [sflag:$0x3], $0x1000, s5, s14, $0x38;
	[tilespmem:$0x8080] =	vst v63  }
0xb0: {  	_ =	swait.ge [sflag:s19], $0x1000  }
0xb1: {  	[sflag:s19] =	ssyncset.done $0x0  }
0xb2: {  	[sflag:s19] =	ssyncadd.s32 $0xFFFFF000  }
0xb3: {  	_ =	swait.ge [sflag:s20], $0x1000  }
0xb4: {  	[sflag:s20] =	ssyncset.done $0x0  }
0xb5: {  	s24 =	simm.s32 $0x70A0;
	[sflag:s20] =	ssyncadd.s32 $0xFFFFF000  }
0xb6: {  	v5 =	vld [tilespmem:s24+$0x10]  }
0xb7: {  	v6 =	vld [tilespmem:s24+$0xFFFFFFF0]  }
0xb8: {  	v7 =	vld [tilespmem:s24+$0x0]  }
0xb9: {  	v4 =	vld [tilespmem:s24+$0xFFFFFFE0]  }
0xba: {  	s23 =	simm.s32 $0x30B0  }
0xbb: {  	[tilespmem:s23+$0x0] =	vst.add.f32.msk $0xffff, v5  }
0xbc: {  	[tilespmem:s23+$0xFFFFFFE0] =	vst.add.f32.msk $0xffff, v6  }
0xbd: {  	s25 =	simm.s32 $0x70E0;
	s24 =	simm.s32 $0x0;
	[tilespmem:s23+$0xFFFFFFF0] =	vst.add.f32.msk $0xffff, v7  }
.LBB2_8:
0xbe: {  	v5 =	vld [tilespmem:s25+$0x10];
	s24 =	sadd.s32 $0x40, s24;
	v6 =	vmov v4  }
0xbf: {  	v7 =	vld [tilespmem:s25+$0xFFFFFFF0];
	p0 =	slt.u32 s24, $0xFC0  }
0xc0: {  	v8 =	vld [tilespmem:s25+$0x0]  }
.Ltmp3:
0xc1: {  	v4 =	vld [tilespmem:s25+$0xFFFFFFE0];
	(pc) =	sbr.rel @p0 .LBB2_8-.Ltmp3, $4  }
0xc2: {  	[tilespmem:s23+$0xFFFFFFD0] =	vst.add.f32.msk $0xffff, v6;
	s23 =	sadd.s32 $0x40, s23  }
0xc3: {  	[tilespmem:s23+$0x0] =	vst.add.f32.msk $0xffff, v5  }
0xc4: {  	[tilespmem:s23+$0xFFFFFFE0] =	vst.add.f32.msk $0xffff, v7  }
0xc5: {  	s25 =	sadd.s32 $0x40, s25;
	[tilespmem:s23+$0xFFFFFFF0] =	vst.add.f32.msk $0xffff, v8  }
0xc6: {  	[tilespmem:s23+$0xFFFFFFD0] =	vst.add.f32.msk $0xffff, v4  }
0xc7: {  	[hbm4b:s11+s14] =	stream.strided.scatter [tilespmem:s26], [sflag:$0x4], $0x1000, s5, s14, $0x38;
	[tilespmem:$0x8080] =	vst v63  }
0xc8: {  	_ =	swait.ge [sflag:s31], $0x1000  }
0xc9: {  	[sflag:s31] =	ssyncset.done $0x0  }
0xca: {  	[sflag:s31] =	ssyncadd.s32 $0xFFFFF000  }
0xcb: {  	_ =	swait.ge [sflag:s1], $0x1000  }
0xcc: {  	[sflag:s1] =	ssyncset.done $0x0  }
0xcd: {  	s21 =	sadd.s32 $0x1, s21;
	[sflag:s1] =	ssyncadd.s32 $0xFFFFF000  }
0xce: {  	p0 =	sne.s32 s21, s12;
	_ =	swait.ge [sflag:s16], $0x1000  }
.Ltmp4:
0xcf: {  	[sflag:s16] =	ssyncset.done $0x0;
	(pc) =	sbr.rel @p0 .LBB2_1-.Ltmp4, $4  }
0xd0: {  	[sflag:s16] =	ssyncadd.s32 $0xFFFFF000  }
0xd1: {  	_ =	swait.ge [sflag:s19], $0x1000  }
0xd2: {  	[sflag:s19] =	ssyncset.done $0x0  }
0xd3: {  	[sflag:s19] =	ssyncadd.s32 $0xFFFFF000  }
0xd4: {  	_ =	sfence.sel $0x180000  }
0xd5: {  	[bflag:$0x0] =	sbarrier.arrive $0xFFFF  }
0xd6: {  	_ =	strace $0x90000047  }
0xd7: {  	s0 =	stileid.u32;
	[bflag:$0x2] =	sbarrier.arrive $0xFFFF  }
0xd8: {  	p0 =	sne.s32 s0, $0x0;
	s0 =	rddreg [dreg:$0x4]  }
0xd9: {  	s0 =	sadd.s32 @!p0 $0x100000, s0  }
0xda: {  	[sflag:s0] =	ssyncadd.tile.s32 @!p0 $0x1;
	_ =	shalt  }
.Lfunc_end2:
_tile_overlayer_lowered:
.L_overlay_start_2:
0xdb: {  	(tag) =	ssettag $0x2  }
0xdc: {  	s0 =	rddreg [dreg:$0x0];
	s2 =	stileid.u32  }
0xdd: {  	s1 =	rddreg [dreg:$0x1];
	p0 =	sne.s32 s2, $0x0  }
0xde: {  	s3 =	rddreg [dreg:$0x2];
	[bflag:$0x3] =	sbarrier.arrive $0xFFFF;
	s2 =	simm.s32 @!p0 $0x1C09  }
0xdf: {  	[timem:s3], [sflag:s2] =	dma.local @!p0 [hbm:s0], s1  }
0xe0: {  	s0 =	simm.s32 @!p0 $0x9  }
0xe1: {  	_ =	swait.ge @!p0 [sflag:s0], s1  }
0xe2: {  	s1 =	ssub.s32 @!p0 $0x0, s1;
	[sflag:s0] =	ssyncset.done @!p0 $0x0  }
0xe3: {  	[sflag:s0] =	ssyncadd.s32 @!p0 s1  }
0xe4: {  	[bflag:$0x3] =	sbarrier.arrive $0xFFFF  }
0xe5: {  	_ =	shalt  }

</sc_bundles>
